<compile_context>
chip_gen: v7x
topology: tpu7x:2x2x1
jax: 0.10.2.dev20260603
libtpu: 0.0.44.dev20260713+nightly
codegen_flags: <defaults>
</compile_context>

<pallas_src>
import functools

import jax
import jax.numpy as jnp
from jax import lax
from jax.experimental import pallas as pl
from jax.experimental.pallas import tpu as pltpu
from jax.experimental.pallas import tpu_sc as plsc

NC = 2
NS = 16
NW = NC * NS
NBUF = 4
NSPL = 2


@jax.jit
def _sc_gather(idx, table):
    K, B = idx.shape
    _, D = table.shape
    CB = B // NW
    mesh = plsc.VectorSubcoreMesh(core_axis_name="c", subcore_axis_name="s")

    @functools.partial(
        pl.kernel,
        out_type=jax.ShapeDtypeStruct((K, B, D), jnp.float32),
        mesh=mesh,
        scratch_types=[
            pltpu.VMEM((K, CB), jnp.int32),
            [pltpu.VMEM((CB, D), jnp.float32)] * NBUF,
            [pltpu.SemaphoreType.DMA] * NBUF,
            [pltpu.SemaphoreType.DMA] * NBUF,
        ],
    )
    def kern(idx_hbm, table_hbm, out_hbm, idx_v, rows, gsem, osem):
        wid = lax.axis_index("s") * NC + lax.axis_index("c")
        wb = wid * CB
        pltpu.sync_copy(idx_hbm.at[:, pl.ds(wb, CB)], idx_v)

        def body(k, carry):
            for b in range(NBUF):
                @pl.when(((k % NBUF) == b) & (k < K))
                def _():
                    @pl.when(k >= NBUF)
                    def _():
                        pltpu.make_async_copy(
                            out_hbm.at[k - NBUF, pl.ds(wb, CB)], rows[b],
                            osem[b]).wait()
                    sp = CB // NSPL
                    for j in range(NSPL):
                        pltpu.async_copy(
                            table_hbm.at[idx_v.at[k, pl.ds(j * sp, sp)]],
                            rows[b].at[pl.ds(j * sp, sp)], gsem[b])
            for b in range(NBUF):
                @pl.when((((k - 1) % NBUF) == b) & (k >= 1) & (k <= K))
                def _():
                    pltpu.make_async_copy(
                        out_hbm.at[k - 1, pl.ds(wb, CB)], rows[b],
                        gsem[b]).wait()
                    pltpu.async_copy(rows[b],
                                     out_hbm.at[k - 1, pl.ds(wb, CB)],
                                     osem[b])
            return carry

        lax.fori_loop(0, K + 1, body, 0, unroll=False)

        for b in range(NBUF):
            pltpu.make_async_copy(out_hbm.at[0, pl.ds(wb, CB)], rows[b],
                                  osem[b]).wait()

    return kern(idx, table)


def kernel(fiber_idx, s):
    out_km = _sc_gather(fiber_idx.astype(jnp.int32).T, s)
    return out_km.transpose(1, 0, 2)

# --- scband reference (transcript-rebuilt; emitter-appended) ---
"""Pipeline reference for scband-fiber-latent-store-63642825392411 (READ-ONLY COPY).

The authoritative reference and input builder live on the scoring server;
editing this copy changes nothing except your own understanding.
"""

import jax, jax.numpy as jnp
import numpy as np

N_FIBERS = 100000
D_S = 128

def setup_inputs(seed: int = 0) -> dict:
    key = jax.random.key(seed)
    k_idx, k_s = jax.random.split(key)
    fiber_idx = jax.random.randint(k_idx, (4096, 50), 0, N_FIBERS, dtype=jnp.int64 if jax.config.jax_enable_x64 else jnp.int32)
    s = jax.random.normal(k_s, (N_FIBERS, D_S), dtype=jnp.float32) * 0.01
    return {"fiber_idx": fiber_idx, "s": s}

def reference(fiber_idx, s):
    # F.embedding(fiber_idx, self.s) -> gather rows of s by fiber_idx
    # Output: (B, k, d_s)
    return jnp.take(s, fiber_idx, axis=0)

if __name__ == "__main__":
    import jax
    _d = setup_inputs()
    print(jax.jit(kernel)(*tuple(_d.values())))

</pallas_src>

<mosaic_0001>
#map = affine_map<(d0, d1) -> (0, 0)>
#map1 = affine_map<(d0, d1) -> (0, 0, 0)>
module attributes {stable_mosaic.version = 14 : i64} {
  func.func @kern(%arg0: i32, %arg1: i32, %arg2: memref<50x4096xi32, #tpu.memory_space<hbm>>, %arg3: memref<100000x128xf32, #tpu.memory_space<hbm>>, %arg4: memref<50x4096x128xf32, #tpu.memory_space<hbm>>, %arg5: memref<50x128xi32, #tpu.memory_space<vmem>>, %arg6: memref<128x128xf32, #tpu.memory_space<vmem>>, %arg7: memref<128x128xf32, #tpu.memory_space<vmem>>, %arg8: memref<128x128xf32, #tpu.memory_space<vmem>>, %arg9: memref<128x128xf32, #tpu.memory_space<vmem>>, %arg10: memref<!tpu.dma_semaphore, #tpu.memory_space<semaphore_mem>>, %arg11: memref<!tpu.dma_semaphore, #tpu.memory_space<semaphore_mem>>, %arg12: memref<!tpu.dma_semaphore, #tpu.memory_space<semaphore_mem>>, %arg13: memref<!tpu.dma_semaphore, #tpu.memory_space<semaphore_mem>>, %arg14: memref<!tpu.dma_semaphore, #tpu.memory_space<semaphore_mem>>, %arg15: memref<!tpu.dma_semaphore, #tpu.memory_space<semaphore_mem>>, %arg16: memref<!tpu.dma_semaphore, #tpu.memory_space<semaphore_mem>>, %arg17: memref<!tpu.dma_semaphore, #tpu.memory_space<semaphore_mem>>) attributes {dimension_semantics = [#tpu.dimension_semantics<core_parallel>, #tpu.dimension_semantics<subcore_parallel>], iteration_bounds = array<i64: 2, 16>, scalar_prefetch = 0 : i64, scratch_operands = 13 : i64, tpu.core_type = #tpu.core_type<sc_vector_subcore>, window_params = [{transform_indices = #map}, {transform_indices = #map}, {transform_indices = #map1}]} {
    %mul3A = arith.constant 2 : i32
    %mul3A_0 = arith.muli %arg1, %mul3A : i32
    %add3A = arith.addi %mul3A_0, %arg0 : i32
    %mul3A_1 = arith.constant 128 : i32
    %mul3A_2 = arith.muli %add3A, %mul3A_1 : i32
    "tpu.region"() ({
      %run_scoped3A = tpu.sem_alloc : memref<!tpu.dma_semaphore, #tpu.memory_space<semaphore_mem>>
      %dma_start3A = arith.constant 0 : i32
      %dma_start3A_35 = tpu.memref_slice %arg2[%dma_start3A, %mul3A_2] : memref<50x4096xi32, #tpu.memory_space<hbm>> -> memref<50x128xi32, #tpu.memory_space<hbm>>
      %dma_start3A_36 = arith.constant 0 : i32
      %dma_start3A_37 = tpu.memref_slice %arg2[%dma_start3A_36, %mul3A_2] : memref<50x4096xi32, #tpu.memory_space<hbm>> -> memref<50x128xi32, #tpu.memory_space<hbm>>
      tpu.enqueue_dma source(%dma_start3A_37 : memref<50x128xi32, #tpu.memory_space<hbm>>) target(%arg5 : memref<50x128xi32, #tpu.memory_space<vmem>>) target_semaphore(%run_scoped3A : memref<!tpu.dma_semaphore, #tpu.memory_space<semaphore_mem>>)
      %dma_wait3A_38 = arith.constant 0 : i32
      %dma_wait3A_39 = tpu.memref_slice %arg2[%dma_wait3A_38, %mul3A_2] : memref<50x4096xi32, #tpu.memory_space<hbm>> -> memref<50x128xi32, #tpu.memory_space<hbm>>
      %dma_wait3A_40 = arith.constant 0 : i32
      %dma_wait3A_41 = tpu.memref_slice %arg2[%dma_wait3A_40, %mul3A_2] : memref<50x4096xi32, #tpu.memory_space<hbm>> -> memref<50x128xi32, #tpu.memory_space<hbm>>
      tpu.wait_dma2 semaphore(%run_scoped3A : memref<!tpu.dma_semaphore, #tpu.memory_space<semaphore_mem>>) src(%dma_wait3A_41 : memref<50x128xi32, #tpu.memory_space<hbm>>) dst(%arg5 : memref<50x128xi32, #tpu.memory_space<vmem>>)
      tpu.yield
    }) : () -> ()
    %scan3A = arith.constant 0 : i32
    %scan3A_3 = arith.constant 0 : i32
    %scan3A_4 = arith.constant 51 : i32
    %scan3A_5 = arith.addi %scan3A_3, %scan3A_4 : i32
    %scan3A_6 = arith.constant 1 : i32
    scf.for %scan3A_35 = %scan3A_3 to %scan3A_5 step %scan3A_6  : i32 {
      %jit3A = arith.constant 4 : i32
      %eq3A = arith.constant 0 : i32
      %eq3A_36 = arith.cmpi eq, %jit3A, %eq3A : i32
      %jit3A_37 = arith.constant 1 : i32
      %select_n3A = arith.select %eq3A_36, %jit3A_37, %jit3A : i32
      %rem3A = arith.remsi %scan3A_35, %select_n3A : i32
      %ne3A = arith.constant 0 : i32
      %ne3A_38 = arith.cmpi ne, %rem3A, %ne3A : i32
      %lt3A = arith.constant 0 : i32
      %lt3A_39 = arith.cmpi slt, %rem3A, %lt3A : i32
      %lt3A_40 = arith.constant 0 : i32
      %lt3A_41 = arith.cmpi slt, %select_n3A, %lt3A_40 : i32
      %ne3A_42 = arith.xori %lt3A_39, %lt3A_41 : i1
      %and3A = arith.andi %ne3A_42, %ne3A_38 : i1
      %add3A_43 = arith.addi %rem3A, %select_n3A : i32
      %select_n3A_44 = arith.select %and3A, %add3A_43, %rem3A : i32
      %eq3A_45 = arith.constant 0 : i32
      %eq3A_46 = arith.cmpi eq, %select_n3A_44, %eq3A_45 : i32
      %lt3A_47 = arith.constant 50 : i32
      %lt3A_48 = arith.cmpi slt, %scan3A_35, %lt3A_47 : i32
      %and3A_49 = arith.andi %eq3A_46, %lt3A_48 : i1
      %convert_element_type3A = arith.extui %and3A_49 : i1 to i32
      %cond3A = arith.constant 0 : i32
      %cond3A_50 = arith.cmpi ne, %convert_element_type3A, %cond3A : i32
      scf.if %cond3A_50 {
        %ge3A_236 = arith.constant 4 : i32
        %ge3A_237 = arith.cmpi sge, %scan3A_35, %ge3A_236 : i32
        %convert_element_type3A_238 = arith.extui %ge3A_237 : i1 to i32
        %cond3A_239 = arith.constant 0 : i32
        %cond3A_240 = arith.cmpi ne, %convert_element_type3A_238, %cond3A_239 : i32
        scf.if %cond3A_240 {
          %sub3A_258 = arith.constant 4 : i32
          %sub3A_259 = arith.subi %scan3A_35, %sub3A_258 : i32
          %dma_wait3A_260 = arith.constant 0 : i32
          %dma_wait3A_261 = tpu.memref_slice %arg4[%sub3A_259, %mul3A_2, %dma_wait3A_260] : memref<50x4096x128xf32, #tpu.memory_space<hbm>> -> memref<1x128x128xf32, #tpu.memory_space<hbm>>
          %dma_wait3A_262 = tpu.memref_squeeze %dma_wait3A_261 : memref<1x128x128xf32, #tpu.memory_space<hbm>> -> memref<128x128xf32, #tpu.memory_space<hbm>>
          %dma_wait3A_263 = arith.constant 0 : i32
          %dma_wait3A_264 = tpu.memref_slice %arg4[%sub3A_259, %mul3A_2, %dma_wait3A_263] : memref<50x4096x128xf32, #tpu.memory_space<hbm>> -> memref<1x128x128xf32, #tpu.memory_space<hbm>>
          %dma_wait3A_265 = tpu.memref_squeeze %dma_wait3A_264 : memref<1x128x128xf32, #tpu.memory_space<hbm>> -> memref<128x128xf32, #tpu.memory_space<hbm>>
          tpu.wait_dma2 semaphore(%arg14 : memref<!tpu.dma_semaphore, #tpu.memory_space<semaphore_mem>>) src(%dma_wait3A_265 : memref<128x128xf32, #tpu.memory_space<hbm>>) dst(%arg6 : memref<128x128xf32, #tpu.memory_space<vmem>>)
        } else {
        }
        %dma_start3A = arith.constant 0 : i32
        %dma_start3A_241 = arith.constant 0 : i32
        %dma_start3A_242 = tpu.memref_slice %arg6[%dma_start3A, %dma_start3A_241] : memref<128x128xf32, #tpu.memory_space<vmem>> -> memref<64x128xf32, #tpu.memory_space<vmem>>
        %dma_start3A_243 = arith.constant 0 : i32
        %dma_start3A_244 = tpu.memref_slice %arg5[%scan3A_35, %dma_start3A_243] : memref<50x128xi32, #tpu.memory_space<vmem>> -> memref<1x64xi32, #tpu.memory_space<vmem>>
        %dma_start3A_245 = tpu.memref_squeeze %dma_start3A_244 : memref<1x64xi32, #tpu.memory_space<vmem>> -> memref<64xi32, #tpu.memory_space<vmem>>
        %dma_start3A_246 = arith.constant 0 : i32
        %dma_start3A_247 = arith.constant 0 : i32
        %dma_start3A_248 = tpu.memref_slice %arg3[%dma_start3A_246, %dma_start3A_247] : memref<100000x128xf32, #tpu.memory_space<hbm>> -> memref<100000x128xf32, #tpu.memory_space<hbm>>
        tpu.enqueue_indirect_dma source(%dma_start3A_248 : memref<100000x128xf32, #tpu.memory_space<hbm>>) target(%dma_start3A_242 : memref<64x128xf32, #tpu.memory_space<vmem>>) offsets(%dma_start3A_245 : memref<64xi32, #tpu.memory_space<vmem>>) semaphore(%arg10 : memref<!tpu.dma_semaphore, #tpu.memory_space<semaphore_mem>>)
        %dma_start3A_249 = arith.constant 64 : i32
        %dma_start3A_250 = arith.constant 0 : i32
        %dma_start3A_251 = tpu.memref_slice %arg6[%dma_start3A_249, %dma_start3A_250] : memref<128x128xf32, #tpu.memory_space<vmem>> -> memref<64x128xf32, #tpu.memory_space<vmem>>
        %dma_start3A_252 = arith.constant 64 : i32
        %dma_start3A_253 = tpu.memref_slice %arg5[%scan3A_35, %dma_start3A_252] : memref<50x128xi32, #tpu.memory_space<vmem>> -> memref<1x64xi32, #tpu.memory_space<vmem>>
        %dma_start3A_254 = tpu.memref_squeeze %dma_start3A_253 : memref<1x64xi32, #tpu.memory_space<vmem>> -> memref<64xi32, #tpu.memory_space<vmem>>
        %dma_start3A_255 = arith.constant 0 : i32
        %dma_start3A_256 = arith.constant 0 : i32
        %dma_start3A_257 = tpu.memref_slice %arg3[%dma_start3A_255, %dma_start3A_256] : memref<100000x128xf32, #tpu.memory_space<hbm>> -> memref<100000x128xf32, #tpu.memory_space<hbm>>
        tpu.enqueue_indirect_dma source(%dma_start3A_257 : memref<100000x128xf32, #tpu.memory_space<hbm>>) target(%dma_start3A_251 : memref<64x128xf32, #tpu.memory_space<vmem>>) offsets(%dma_start3A_254 : memref<64xi32, #tpu.memory_space<vmem>>) semaphore(%arg10 : memref<!tpu.dma_semaphore, #tpu.memory_space<semaphore_mem>>)
      } else {
      }
      %jit3A_51 = arith.constant 4 : i32
      %eq3A_52 = arith.constant 0 : i32
      %eq3A_53 = arith.cmpi eq, %jit3A_51, %eq3A_52 : i32
      %jit3A_54 = arith.constant 1 : i32
      %select_n3A_55 = arith.select %eq3A_53, %jit3A_54, %jit3A_51 : i32
      %rem3A_56 = arith.remsi %scan3A_35, %select_n3A_55 : i32
      %ne3A_57 = arith.constant 0 : i32
      %ne3A_58 = arith.cmpi ne, %rem3A_56, %ne3A_57 : i32
      %lt3A_59 = arith.constant 0 : i32
      %lt3A_60 = arith.cmpi slt, %rem3A_56, %lt3A_59 : i32
      %lt3A_61 = arith.constant 0 : i32
      %lt3A_62 = arith.cmpi slt, %select_n3A_55, %lt3A_61 : i32
      %ne3A_63 = arith.xori %lt3A_60, %lt3A_62 : i1
      %and3A_64 = arith.andi %ne3A_63, %ne3A_58 : i1
      %add3A_65 = arith.addi %rem3A_56, %select_n3A_55 : i32
      %select_n3A_66 = arith.select %and3A_64, %add3A_65, %rem3A_56 : i32
      %eq3A_67 = arith.constant 1 : i32
      %eq3A_68 = arith.cmpi eq, %select_n3A_66, %eq3A_67 : i32
      %lt3A_69 = arith.constant 50 : i32
      %lt3A_70 = arith.cmpi slt, %scan3A_35, %lt3A_69 : i32
      %and3A_71 = arith.andi %eq3A_68, %lt3A_70 : i1
      %convert_element_type3A_72 = arith.extui %and3A_71 : i1 to i32
      %cond3A_73 = arith.constant 0 : i32
      %cond3A_74 = arith.cmpi ne, %convert_element_type3A_72, %cond3A_73 : i32
      scf.if %cond3A_74 {
        %ge3A_236 = arith.constant 4 : i32
        %ge3A_237 = arith.cmpi sge, %scan3A_35, %ge3A_236 : i32
        %convert_element_type3A_238 = arith.extui %ge3A_237 : i1 to i32
        %cond3A_239 = arith.constant 0 : i32
        %cond3A_240 = arith.cmpi ne, %convert_element_type3A_238, %cond3A_239 : i32
        scf.if %cond3A_240 {
          %sub3A_258 = arith.constant 4 : i32
          %sub3A_259 = arith.subi %scan3A_35, %sub3A_258 : i32
          %dma_wait3A_260 = arith.constant 0 : i32
          %dma_wait3A_261 = tpu.memref_slice %arg4[%sub3A_259, %mul3A_2, %dma_wait3A_260] : memref<50x4096x128xf32, #tpu.memory_space<hbm>> -> memref<1x128x128xf32, #tpu.memory_space<hbm>>
          %dma_wait3A_262 = tpu.memref_squeeze %dma_wait3A_261 : memref<1x128x128xf32, #tpu.memory_space<hbm>> -> memref<128x128xf32, #tpu.memory_space<hbm>>
          %dma_wait3A_263 = arith.constant 0 : i32
          %dma_wait3A_264 = tpu.memref_slice %arg4[%sub3A_259, %mul3A_2, %dma_wait3A_263] : memref<50x4096x128xf32, #tpu.memory_space<hbm>> -> memref<1x128x128xf32, #tpu.memory_space<hbm>>
          %dma_wait3A_265 = tpu.memref_squeeze %dma_wait3A_264 : memref<1x128x128xf32, #tpu.memory_space<hbm>> -> memref<128x128xf32, #tpu.memory_space<hbm>>
          tpu.wait_dma2 semaphore(%arg15 : memref<!tpu.dma_semaphore, #tpu.memory_space<semaphore_mem>>) src(%dma_wait3A_265 : memref<128x128xf32, #tpu.memory_space<hbm>>) dst(%arg7 : memref<128x128xf32, #tpu.memory_space<vmem>>)
        } else {
        }
        %dma_start3A = arith.constant 0 : i32
        %dma_start3A_241 = arith.constant 0 : i32
        %dma_start3A_242 = tpu.memref_slice %arg7[%dma_start3A, %dma_start3A_241] : memref<128x128xf32, #tpu.memory_space<vmem>> -> memref<64x128xf32, #tpu.memory_space<vmem>>
        %dma_start3A_243 = arith.constant 0 : i32
        %dma_start3A_244 = tpu.memref_slice %arg5[%scan3A_35, %dma_start3A_243] : memref<50x128xi32, #tpu.memory_space<vmem>> -> memref<1x64xi32, #tpu.memory_space<vmem>>
        %dma_start3A_245 = tpu.memref_squeeze %dma_start3A_244 : memref<1x64xi32, #tpu.memory_space<vmem>> -> memref<64xi32, #tpu.memory_space<vmem>>
        %dma_start3A_246 = arith.constant 0 : i32
        %dma_start3A_247 = arith.constant 0 : i32
        %dma_start3A_248 = tpu.memref_slice %arg3[%dma_start3A_246, %dma_start3A_247] : memref<100000x128xf32, #tpu.memory_space<hbm>> -> memref<100000x128xf32, #tpu.memory_space<hbm>>
        tpu.enqueue_indirect_dma source(%dma_start3A_248 : memref<100000x128xf32, #tpu.memory_space<hbm>>) target(%dma_start3A_242 : memref<64x128xf32, #tpu.memory_space<vmem>>) offsets(%dma_start3A_245 : memref<64xi32, #tpu.memory_space<vmem>>) semaphore(%arg11 : memref<!tpu.dma_semaphore, #tpu.memory_space<semaphore_mem>>)
        %dma_start3A_249 = arith.constant 64 : i32
        %dma_start3A_250 = arith.constant 0 : i32
        %dma_start3A_251 = tpu.memref_slice %arg7[%dma_start3A_249, %dma_start3A_250] : memref<128x128xf32, #tpu.memory_space<vmem>> -> memref<64x128xf32, #tpu.memory_space<vmem>>
        %dma_start3A_252 = arith.constant 64 : i32
        %dma_start3A_253 = tpu.memref_slice %arg5[%scan3A_35, %dma_start3A_252] : memref<50x128xi32, #tpu.memory_space<vmem>> -> memref<1x64xi32, #tpu.memory_space<vmem>>
        %dma_start3A_254 = tpu.memref_squeeze %dma_start3A_253 : memref<1x64xi32, #tpu.memory_space<vmem>> -> memref<64xi32, #tpu.memory_space<vmem>>
        %dma_start3A_255 = arith.constant 0 : i32
        %dma_start3A_256 = arith.constant 0 : i32
        %dma_start3A_257 = tpu.memref_slice %arg3[%dma_start3A_255, %dma_start3A_256] : memref<100000x128xf32, #tpu.memory_space<hbm>> -> memref<100000x128xf32, #tpu.memory_space<hbm>>
        tpu.enqueue_indirect_dma source(%dma_start3A_257 : memref<100000x128xf32, #tpu.memory_space<hbm>>) target(%dma_start3A_251 : memref<64x128xf32, #tpu.memory_space<vmem>>) offsets(%dma_start3A_254 : memref<64xi32, #tpu.memory_space<vmem>>) semaphore(%arg11 : memref<!tpu.dma_semaphore, #tpu.memory_space<semaphore_mem>>)
      } else {
      }
      %jit3A_75 = arith.constant 4 : i32
      %eq3A_76 = arith.constant 0 : i32
      %eq3A_77 = arith.cmpi eq, %jit3A_75, %eq3A_76 : i32
      %jit3A_78 = arith.constant 1 : i32
      %select_n3A_79 = arith.select %eq3A_77, %jit3A_78, %jit3A_75 : i32
      %rem3A_80 = arith.remsi %scan3A_35, %select_n3A_79 : i32
      %ne3A_81 = arith.constant 0 : i32
      %ne3A_82 = arith.cmpi ne, %rem3A_80, %ne3A_81 : i32
      %lt3A_83 = arith.constant 0 : i32
      %lt3A_84 = arith.cmpi slt, %rem3A_80, %lt3A_83 : i32
      %lt3A_85 = arith.constant 0 : i32
      %lt3A_86 = arith.cmpi slt, %select_n3A_79, %lt3A_85 : i32
      %ne3A_87 = arith.xori %lt3A_84, %lt3A_86 : i1
      %and3A_88 = arith.andi %ne3A_87, %ne3A_82 : i1
      %add3A_89 = arith.addi %rem3A_80, %select_n3A_79 : i32
      %select_n3A_90 = arith.select %and3A_88, %add3A_89, %rem3A_80 : i32
      %eq3A_91 = arith.constant 2 : i32
      %eq3A_92 = arith.cmpi eq, %select_n3A_90, %eq3A_91 : i32
      %lt3A_93 = arith.constant 50 : i32
      %lt3A_94 = arith.cmpi slt, %scan3A_35, %lt3A_93 : i32
      %and3A_95 = arith.andi %eq3A_92, %lt3A_94 : i1
      %convert_element_type3A_96 = arith.extui %and3A_95 : i1 to i32
      %cond3A_97 = arith.constant 0 : i32
      %cond3A_98 = arith.cmpi ne, %convert_element_type3A_96, %cond3A_97 : i32
      scf.if %cond3A_98 {
        %ge3A_236 = arith.constant 4 : i32
        %ge3A_237 = arith.cmpi sge, %scan3A_35, %ge3A_236 : i32
        %convert_element_type3A_238 = arith.extui %ge3A_237 : i1 to i32
        %cond3A_239 = arith.constant 0 : i32
        %cond3A_240 = arith.cmpi ne, %convert_element_type3A_238, %cond3A_239 : i32
        scf.if %cond3A_240 {
          %sub3A_258 = arith.constant 4 : i32
          %sub3A_259 = arith.subi %scan3A_35, %sub3A_258 : i32
          %dma_wait3A_260 = arith.constant 0 : i32
          %dma_wait3A_261 = tpu.memref_slice %arg4[%sub3A_259, %mul3A_2, %dma_wait3A_260] : memref<50x4096x128xf32, #tpu.memory_space<hbm>> -> memref<1x128x128xf32, #tpu.memory_space<hbm>>
          %dma_wait3A_262 = tpu.memref_squeeze %dma_wait3A_261 : memref<1x128x128xf32, #tpu.memory_space<hbm>> -> memref<128x128xf32, #tpu.memory_space<hbm>>
          %dma_wait3A_263 = arith.constant 0 : i32
          %dma_wait3A_264 = tpu.memref_slice %arg4[%sub3A_259, %mul3A_2, %dma_wait3A_263] : memref<50x4096x128xf32, #tpu.memory_space<hbm>> -> memref<1x128x128xf32, #tpu.memory_space<hbm>>
          %dma_wait3A_265 = tpu.memref_squeeze %dma_wait3A_264 : memref<1x128x128xf32, #tpu.memory_space<hbm>> -> memref<128x128xf32, #tpu.memory_space<hbm>>
          tpu.wait_dma2 semaphore(%arg16 : memref<!tpu.dma_semaphore, #tpu.memory_space<semaphore_mem>>) src(%dma_wait3A_265 : memref<128x128xf32, #tpu.memory_space<hbm>>) dst(%arg8 : memref<128x128xf32, #tpu.memory_space<vmem>>)
        } else {
        }
        %dma_start3A = arith.constant 0 : i32
        %dma_start3A_241 = arith.constant 0 : i32
        %dma_start3A_242 = tpu.memref_slice %arg8[%dma_start3A, %dma_start3A_241] : memref<128x128xf32, #tpu.memory_space<vmem>> -> memref<64x128xf32, #tpu.memory_space<vmem>>
        %dma_start3A_243 = arith.constant 0 : i32
        %dma_start3A_244 = tpu.memref_slice %arg5[%scan3A_35, %dma_start3A_243] : memref<50x128xi32, #tpu.memory_space<vmem>> -> memref<1x64xi32, #tpu.memory_space<vmem>>
        %dma_start3A_245 = tpu.memref_squeeze %dma_start3A_244 : memref<1x64xi32, #tpu.memory_space<vmem>> -> memref<64xi32, #tpu.memory_space<vmem>>
        %dma_start3A_246 = arith.constant 0 : i32
        %dma_start3A_247 = arith.constant 0 : i32
        %dma_start3A_248 = tpu.memref_slice %arg3[%dma_start3A_246, %dma_start3A_247] : memref<100000x128xf32, #tpu.memory_space<hbm>> -> memref<100000x128xf32, #tpu.memory_space<hbm>>
        tpu.enqueue_indirect_dma source(%dma_start3A_248 : memref<100000x128xf32, #tpu.memory_space<hbm>>) target(%dma_start3A_242 : memref<64x128xf32, #tpu.memory_space<vmem>>) offsets(%dma_start3A_245 : memref<64xi32, #tpu.memory_space<vmem>>) semaphore(%arg12 : memref<!tpu.dma_semaphore, #tpu.memory_space<semaphore_mem>>)
        %dma_start3A_249 = arith.constant 64 : i32
        %dma_start3A_250 = arith.constant 0 : i32
        %dma_start3A_251 = tpu.memref_slice %arg8[%dma_start3A_249, %dma_start3A_250] : memref<128x128xf32, #tpu.memory_space<vmem>> -> memref<64x128xf32, #tpu.memory_space<vmem>>
        %dma_start3A_252 = arith.constant 64 : i32
        %dma_start3A_253 = tpu.memref_slice %arg5[%scan3A_35, %dma_start3A_252] : memref<50x128xi32, #tpu.memory_space<vmem>> -> memref<1x64xi32, #tpu.memory_space<vmem>>
        %dma_start3A_254 = tpu.memref_squeeze %dma_start3A_253 : memref<1x64xi32, #tpu.memory_space<vmem>> -> memref<64xi32, #tpu.memory_space<vmem>>
        %dma_start3A_255 = arith.constant 0 : i32
        %dma_start3A_256 = arith.constant 0 : i32
        %dma_start3A_257 = tpu.memref_slice %arg3[%dma_start3A_255, %dma_start3A_256] : memref<100000x128xf32, #tpu.memory_space<hbm>> -> memref<100000x128xf32, #tpu.memory_space<hbm>>
        tpu.enqueue_indirect_dma source(%dma_start3A_257 : memref<100000x128xf32, #tpu.memory_space<hbm>>) target(%dma_start3A_251 : memref<64x128xf32, #tpu.memory_space<vmem>>) offsets(%dma_start3A_254 : memref<64xi32, #tpu.memory_space<vmem>>) semaphore(%arg12 : memref<!tpu.dma_semaphore, #tpu.memory_space<semaphore_mem>>)
      } else {
      }
      %jit3A_99 = arith.constant 4 : i32
      %eq3A_100 = arith.constant 0 : i32
      %eq3A_101 = arith.cmpi eq, %jit3A_99, %eq3A_100 : i32
      %jit3A_102 = arith.constant 1 : i32
      %select_n3A_103 = arith.select %eq3A_101, %jit3A_102, %jit3A_99 : i32
      %rem3A_104 = arith.remsi %scan3A_35, %select_n3A_103 : i32
      %ne3A_105 = arith.constant 0 : i32
      %ne3A_106 = arith.cmpi ne, %rem3A_104, %ne3A_105 : i32
      %lt3A_107 = arith.constant 0 : i32
      %lt3A_108 = arith.cmpi slt, %rem3A_104, %lt3A_107 : i32
      %lt3A_109 = arith.constant 0 : i32
      %lt3A_110 = arith.cmpi slt, %select_n3A_103, %lt3A_109 : i32
      %ne3A_111 = arith.xori %lt3A_108, %lt3A_110 : i1
      %and3A_112 = arith.andi %ne3A_111, %ne3A_106 : i1
      %add3A_113 = arith.addi %rem3A_104, %select_n3A_103 : i32
      %select_n3A_114 = arith.select %and3A_112, %add3A_113, %rem3A_104 : i32
      %eq3A_115 = arith.constant 3 : i32
      %eq3A_116 = arith.cmpi eq, %select_n3A_114, %eq3A_115 : i32
      %lt3A_117 = arith.constant 50 : i32
      %lt3A_118 = arith.cmpi slt, %scan3A_35, %lt3A_117 : i32
      %and3A_119 = arith.andi %eq3A_116, %lt3A_118 : i1
      %convert_element_type3A_120 = arith.extui %and3A_119 : i1 to i32
      %cond3A_121 = arith.constant 0 : i32
      %cond3A_122 = arith.cmpi ne, %convert_element_type3A_120, %cond3A_121 : i32
      scf.if %cond3A_122 {
        %ge3A_236 = arith.constant 4 : i32
        %ge3A_237 = arith.cmpi sge, %scan3A_35, %ge3A_236 : i32
        %convert_element_type3A_238 = arith.extui %ge3A_237 : i1 to i32
        %cond3A_239 = arith.constant 0 : i32
        %cond3A_240 = arith.cmpi ne, %convert_element_type3A_238, %cond3A_239 : i32
        scf.if %cond3A_240 {
          %sub3A_258 = arith.constant 4 : i32
          %sub3A_259 = arith.subi %scan3A_35, %sub3A_258 : i32
          %dma_wait3A_260 = arith.constant 0 : i32
          %dma_wait3A_261 = tpu.memref_slice %arg4[%sub3A_259, %mul3A_2, %dma_wait3A_260] : memref<50x4096x128xf32, #tpu.memory_space<hbm>> -> memref<1x128x128xf32, #tpu.memory_space<hbm>>
          %dma_wait3A_262 = tpu.memref_squeeze %dma_wait3A_261 : memref<1x128x128xf32, #tpu.memory_space<hbm>> -> memref<128x128xf32, #tpu.memory_space<hbm>>
          %dma_wait3A_263 = arith.constant 0 : i32
          %dma_wait3A_264 = tpu.memref_slice %arg4[%sub3A_259, %mul3A_2, %dma_wait3A_263] : memref<50x4096x128xf32, #tpu.memory_space<hbm>> -> memref<1x128x128xf32, #tpu.memory_space<hbm>>
          %dma_wait3A_265 = tpu.memref_squeeze %dma_wait3A_264 : memref<1x128x128xf32, #tpu.memory_space<hbm>> -> memref<128x128xf32, #tpu.memory_space<hbm>>
          tpu.wait_dma2 semaphore(%arg17 : memref<!tpu.dma_semaphore, #tpu.memory_space<semaphore_mem>>) src(%dma_wait3A_265 : memref<128x128xf32, #tpu.memory_space<hbm>>) dst(%arg9 : memref<128x128xf32, #tpu.memory_space<vmem>>)
        } else {
        }
        %dma_start3A = arith.constant 0 : i32
        %dma_start3A_241 = arith.constant 0 : i32
        %dma_start3A_242 = tpu.memref_slice %arg9[%dma_start3A, %dma_start3A_241] : memref<128x128xf32, #tpu.memory_space<vmem>> -> memref<64x128xf32, #tpu.memory_space<vmem>>
        %dma_start3A_243 = arith.constant 0 : i32
        %dma_start3A_244 = tpu.memref_slice %arg5[%scan3A_35, %dma_start3A_243] : memref<50x128xi32, #tpu.memory_space<vmem>> -> memref<1x64xi32, #tpu.memory_space<vmem>>
        %dma_start3A_245 = tpu.memref_squeeze %dma_start3A_244 : memref<1x64xi32, #tpu.memory_space<vmem>> -> memref<64xi32, #tpu.memory_space<vmem>>
        %dma_start3A_246 = arith.constant 0 : i32
        %dma_start3A_247 = arith.constant 0 : i32
        %dma_start3A_248 = tpu.memref_slice %arg3[%dma_start3A_246, %dma_start3A_247] : memref<100000x128xf32, #tpu.memory_space<hbm>> -> memref<100000x128xf32, #tpu.memory_space<hbm>>
        tpu.enqueue_indirect_dma source(%dma_start3A_248 : memref<100000x128xf32, #tpu.memory_space<hbm>>) target(%dma_start3A_242 : memref<64x128xf32, #tpu.memory_space<vmem>>) offsets(%dma_start3A_245 : memref<64xi32, #tpu.memory_space<vmem>>) semaphore(%arg13 : memref<!tpu.dma_semaphore, #tpu.memory_space<semaphore_mem>>)
        %dma_start3A_249 = arith.constant 64 : i32
        %dma_start3A_250 = arith.constant 0 : i32
        %dma_start3A_251 = tpu.memref_slice %arg9[%dma_start3A_249, %dma_start3A_250] : memref<128x128xf32, #tpu.memory_space<vmem>> -> memref<64x128xf32, #tpu.memory_space<vmem>>
        %dma_start3A_252 = arith.constant 64 : i32
        %dma_start3A_253 = tpu.memref_slice %arg5[%scan3A_35, %dma_start3A_252] : memref<50x128xi32, #tpu.memory_space<vmem>> -> memref<1x64xi32, #tpu.memory_space<vmem>>
        %dma_start3A_254 = tpu.memref_squeeze %dma_start3A_253 : memref<1x64xi32, #tpu.memory_space<vmem>> -> memref<64xi32, #tpu.memory_space<vmem>>
        %dma_start3A_255 = arith.constant 0 : i32
        %dma_start3A_256 = arith.constant 0 : i32
        %dma_start3A_257 = tpu.memref_slice %arg3[%dma_start3A_255, %dma_start3A_256] : memref<100000x128xf32, #tpu.memory_space<hbm>> -> memref<100000x128xf32, #tpu.memory_space<hbm>>
        tpu.enqueue_indirect_dma source(%dma_start3A_257 : memref<100000x128xf32, #tpu.memory_space<hbm>>) target(%dma_start3A_251 : memref<64x128xf32, #tpu.memory_space<vmem>>) offsets(%dma_start3A_254 : memref<64xi32, #tpu.memory_space<vmem>>) semaphore(%arg13 : memref<!tpu.dma_semaphore, #tpu.memory_space<semaphore_mem>>)
      } else {
      }
      %sub3A = arith.constant 1 : i32
      %sub3A_123 = arith.subi %scan3A_35, %sub3A : i32
      %jit3A_124 = arith.constant 4 : i32
      %eq3A_125 = arith.constant 0 : i32
      %eq3A_126 = arith.cmpi eq, %jit3A_124, %eq3A_125 : i32
      %jit3A_127 = arith.constant 1 : i32
      %select_n3A_128 = arith.select %eq3A_126, %jit3A_127, %jit3A_124 : i32
      %rem3A_129 = arith.remsi %sub3A_123, %select_n3A_128 : i32
      %ne3A_130 = arith.constant 0 : i32
      %ne3A_131 = arith.cmpi ne, %rem3A_129, %ne3A_130 : i32
      %lt3A_132 = arith.constant 0 : i32
      %lt3A_133 = arith.cmpi slt, %rem3A_129, %lt3A_132 : i32
      %lt3A_134 = arith.constant 0 : i32
      %lt3A_135 = arith.cmpi slt, %select_n3A_128, %lt3A_134 : i32
      %ne3A_136 = arith.xori %lt3A_133, %lt3A_135 : i1
      %and3A_137 = arith.andi %ne3A_136, %ne3A_131 : i1
      %add3A_138 = arith.addi %rem3A_129, %select_n3A_128 : i32
      %select_n3A_139 = arith.select %and3A_137, %add3A_138, %rem3A_129 : i32
      %eq3A_140 = arith.constant 0 : i32
      %eq3A_141 = arith.cmpi eq, %select_n3A_139, %eq3A_140 : i32
      %ge3A = arith.constant 1 : i32
      %ge3A_142 = arith.cmpi sge, %scan3A_35, %ge3A : i32
      %and3A_143 = arith.andi %eq3A_141, %ge3A_142 : i1
      %le3A = arith.constant 50 : i32
      %le3A_144 = arith.cmpi sle, %scan3A_35, %le3A : i32
      %and3A_145 = arith.andi %and3A_143, %le3A_144 : i1
      %convert_element_type3A_146 = arith.extui %and3A_145 : i1 to i32
      %cond3A_147 = arith.constant 0 : i32
      %cond3A_148 = arith.cmpi ne, %convert_element_type3A_146, %cond3A_147 : i32
      scf.if %cond3A_148 {
        %sub3A_236 = arith.constant 1 : i32
        %sub3A_237 = arith.subi %scan3A_35, %sub3A_236 : i32
        %dma_wait3A_238 = arith.constant 0 : i32
        %dma_wait3A_239 = tpu.memref_slice %arg4[%sub3A_237, %mul3A_2, %dma_wait3A_238] : memref<50x4096x128xf32, #tpu.memory_space<hbm>> -> memref<1x128x128xf32, #tpu.memory_space<hbm>>
        %dma_wait3A_240 = tpu.memref_squeeze %dma_wait3A_239 : memref<1x128x128xf32, #tpu.memory_space<hbm>> -> memref<128x128xf32, #tpu.memory_space<hbm>>
        %dma_wait3A_241 = arith.constant 0 : i32
        %dma_wait3A_242 = tpu.memref_slice %arg4[%sub3A_237, %mul3A_2, %dma_wait3A_241] : memref<50x4096x128xf32, #tpu.memory_space<hbm>> -> memref<1x128x128xf32, #tpu.memory_space<hbm>>
        %dma_wait3A_243 = tpu.memref_squeeze %dma_wait3A_242 : memref<1x128x128xf32, #tpu.memory_space<hbm>> -> memref<128x128xf32, #tpu.memory_space<hbm>>
        tpu.wait_dma2 semaphore(%arg10 : memref<!tpu.dma_semaphore, #tpu.memory_space<semaphore_mem>>) src(%dma_wait3A_243 : memref<128x128xf32, #tpu.memory_space<hbm>>) dst(%arg6 : memref<128x128xf32, #tpu.memory_space<vmem>>)
        %sub3A_244 = arith.constant 1 : i32
        %sub3A_245 = arith.subi %scan3A_35, %sub3A_244 : i32
        %dma_start3A = arith.constant 0 : i32
        %dma_start3A_246 = tpu.memref_slice %arg4[%sub3A_245, %mul3A_2, %dma_start3A] : memref<50x4096x128xf32, #tpu.memory_space<hbm>> -> memref<1x128x128xf32, #tpu.memory_space<hbm>>
        %dma_start3A_247 = tpu.memref_squeeze %dma_start3A_246 : memref<1x128x128xf32, #tpu.memory_space<hbm>> -> memref<128x128xf32, #tpu.memory_space<hbm>>
        %dma_start3A_248 = arith.constant 0 : i32
        %dma_start3A_249 = tpu.memref_slice %arg4[%sub3A_245, %mul3A_2, %dma_start3A_248] : memref<50x4096x128xf32, #tpu.memory_space<hbm>> -> memref<1x128x128xf32, #tpu.memory_space<hbm>>
        %dma_start3A_250 = tpu.memref_squeeze %dma_start3A_249 : memref<1x128x128xf32, #tpu.memory_space<hbm>> -> memref<128x128xf32, #tpu.memory_space<hbm>>
        tpu.enqueue_dma source(%arg6 : memref<128x128xf32, #tpu.memory_space<vmem>>) target(%dma_start3A_250 : memref<128x128xf32, #tpu.memory_space<hbm>>) target_semaphore(%arg14 : memref<!tpu.dma_semaphore, #tpu.memory_space<semaphore_mem>>)
      } else {
      }
      %sub3A_149 = arith.constant 1 : i32
      %sub3A_150 = arith.subi %scan3A_35, %sub3A_149 : i32
      %jit3A_151 = arith.constant 4 : i32
      %eq3A_152 = arith.constant 0 : i32
      %eq3A_153 = arith.cmpi eq, %jit3A_151, %eq3A_152 : i32
      %jit3A_154 = arith.constant 1 : i32
      %select_n3A_155 = arith.select %eq3A_153, %jit3A_154, %jit3A_151 : i32
      %rem3A_156 = arith.remsi %sub3A_150, %select_n3A_155 : i32
      %ne3A_157 = arith.constant 0 : i32
      %ne3A_158 = arith.cmpi ne, %rem3A_156, %ne3A_157 : i32
      %lt3A_159 = arith.constant 0 : i32
      %lt3A_160 = arith.cmpi slt, %rem3A_156, %lt3A_159 : i32
      %lt3A_161 = arith.constant 0 : i32
      %lt3A_162 = arith.cmpi slt, %select_n3A_155, %lt3A_161 : i32
      %ne3A_163 = arith.xori %lt3A_160, %lt3A_162 : i1
      %and3A_164 = arith.andi %ne3A_163, %ne3A_158 : i1
      %add3A_165 = arith.addi %rem3A_156, %select_n3A_155 : i32
      %select_n3A_166 = arith.select %and3A_164, %add3A_165, %rem3A_156 : i32
      %eq3A_167 = arith.constant 1 : i32
      %eq3A_168 = arith.cmpi eq, %select_n3A_166, %eq3A_167 : i32
      %ge3A_169 = arith.constant 1 : i32
      %ge3A_170 = arith.cmpi sge, %scan3A_35, %ge3A_169 : i32
      %and3A_171 = arith.andi %eq3A_168, %ge3A_170 : i1
      %le3A_172 = arith.constant 50 : i32
      %le3A_173 = arith.cmpi sle, %scan3A_35, %le3A_172 : i32
      %and3A_174 = arith.andi %and3A_171, %le3A_173 : i1
      %convert_element_type3A_175 = arith.extui %and3A_174 : i1 to i32
      %cond3A_176 = arith.constant 0 : i32
      %cond3A_177 = arith.cmpi ne, %convert_element_type3A_175, %cond3A_176 : i32
      scf.if %cond3A_177 {
        %sub3A_236 = arith.constant 1 : i32
        %sub3A_237 = arith.subi %scan3A_35, %sub3A_236 : i32
        %dma_wait3A_238 = arith.constant 0 : i32
        %dma_wait3A_239 = tpu.memref_slice %arg4[%sub3A_237, %mul3A_2, %dma_wait3A_238] : memref<50x4096x128xf32, #tpu.memory_space<hbm>> -> memref<1x128x128xf32, #tpu.memory_space<hbm>>
        %dma_wait3A_240 = tpu.memref_squeeze %dma_wait3A_239 : memref<1x128x128xf32, #tpu.memory_space<hbm>> -> memref<128x128xf32, #tpu.memory_space<hbm>>
        %dma_wait3A_241 = arith.constant 0 : i32
        %dma_wait3A_242 = tpu.memref_slice %arg4[%sub3A_237, %mul3A_2, %dma_wait3A_241] : memref<50x4096x128xf32, #tpu.memory_space<hbm>> -> memref<1x128x128xf32, #tpu.memory_space<hbm>>
        %dma_wait3A_243 = tpu.memref_squeeze %dma_wait3A_242 : memref<1x128x128xf32, #tpu.memory_space<hbm>> -> memref<128x128xf32, #tpu.memory_space<hbm>>
        tpu.wait_dma2 semaphore(%arg11 : memref<!tpu.dma_semaphore, #tpu.memory_space<semaphore_mem>>) src(%dma_wait3A_243 : memref<128x128xf32, #tpu.memory_space<hbm>>) dst(%arg7 : memref<128x128xf32, #tpu.memory_space<vmem>>)
        %sub3A_244 = arith.constant 1 : i32
        %sub3A_245 = arith.subi %scan3A_35, %sub3A_244 : i32
        %dma_start3A = arith.constant 0 : i32
        %dma_start3A_246 = tpu.memref_slice %arg4[%sub3A_245, %mul3A_2, %dma_start3A] : memref<50x4096x128xf32, #tpu.memory_space<hbm>> -> memref<1x128x128xf32, #tpu.memory_space<hbm>>
        %dma_start3A_247 = tpu.memref_squeeze %dma_start3A_246 : memref<1x128x128xf32, #tpu.memory_space<hbm>> -> memref<128x128xf32, #tpu.memory_space<hbm>>
        %dma_start3A_248 = arith.constant 0 : i32
        %dma_start3A_249 = tpu.memref_slice %arg4[%sub3A_245, %mul3A_2, %dma_start3A_248] : memref<50x4096x128xf32, #tpu.memory_space<hbm>> -> memref<1x128x128xf32, #tpu.memory_space<hbm>>
        %dma_start3A_250 = tpu.memref_squeeze %dma_start3A_249 : memref<1x128x128xf32, #tpu.memory_space<hbm>> -> memref<128x128xf32, #tpu.memory_space<hbm>>
        tpu.enqueue_dma source(%arg7 : memref<128x128xf32, #tpu.memory_space<vmem>>) target(%dma_start3A_250 : memref<128x128xf32, #tpu.memory_space<hbm>>) target_semaphore(%arg15 : memref<!tpu.dma_semaphore, #tpu.memory_space<semaphore_mem>>)
      } else {
      }
      %sub3A_178 = arith.constant 1 : i32
      %sub3A_179 = arith.subi %scan3A_35, %sub3A_178 : i32
      %jit3A_180 = arith.constant 4 : i32
      %eq3A_181 = arith.constant 0 : i32
      %eq3A_182 = arith.cmpi eq, %jit3A_180, %eq3A_181 : i32
      %jit3A_183 = arith.constant 1 : i32
      %select_n3A_184 = arith.select %eq3A_182, %jit3A_183, %jit3A_180 : i32
      %rem3A_185 = arith.remsi %sub3A_179, %select_n3A_184 : i32
      %ne3A_186 = arith.constant 0 : i32
      %ne3A_187 = arith.cmpi ne, %rem3A_185, %ne3A_186 : i32
      %lt3A_188 = arith.constant 0 : i32
      %lt3A_189 = arith.cmpi slt, %rem3A_185, %lt3A_188 : i32
      %lt3A_190 = arith.constant 0 : i32
      %lt3A_191 = arith.cmpi slt, %select_n3A_184, %lt3A_190 : i32
      %ne3A_192 = arith.xori %lt3A_189, %lt3A_191 : i1
      %and3A_193 = arith.andi %ne3A_192, %ne3A_187 : i1
      %add3A_194 = arith.addi %rem3A_185, %select_n3A_184 : i32
      %select_n3A_195 = arith.select %and3A_193, %add3A_194, %rem3A_185 : i32
      %eq3A_196 = arith.constant 2 : i32
      %eq3A_197 = arith.cmpi eq, %select_n3A_195, %eq3A_196 : i32
      %ge3A_198 = arith.constant 1 : i32
      %ge3A_199 = arith.cmpi sge, %scan3A_35, %ge3A_198 : i32
      %and3A_200 = arith.andi %eq3A_197, %ge3A_199 : i1
      %le3A_201 = arith.constant 50 : i32
      %le3A_202 = arith.cmpi sle, %scan3A_35, %le3A_201 : i32
      %and3A_203 = arith.andi %and3A_200, %le3A_202 : i1
      %convert_element_type3A_204 = arith.extui %and3A_203 : i1 to i32
      %cond3A_205 = arith.constant 0 : i32
      %cond3A_206 = arith.cmpi ne, %convert_element_type3A_204, %cond3A_205 : i32
      scf.if %cond3A_206 {
        %sub3A_236 = arith.constant 1 : i32
        %sub3A_237 = arith.subi %scan3A_35, %sub3A_236 : i32
        %dma_wait3A_238 = arith.constant 0 : i32
        %dma_wait3A_239 = tpu.memref_slice %arg4[%sub3A_237, %mul3A_2, %dma_wait3A_238] : memref<50x4096x128xf32, #tpu.memory_space<hbm>> -> memref<1x128x128xf32, #tpu.memory_space<hbm>>
        %dma_wait3A_240 = tpu.memref_squeeze %dma_wait3A_239 : memref<1x128x128xf32, #tpu.memory_space<hbm>> -> memref<128x128xf32, #tpu.memory_space<hbm>>
        %dma_wait3A_241 = arith.constant 0 : i32
        %dma_wait3A_242 = tpu.memref_slice %arg4[%sub3A_237, %mul3A_2, %dma_wait3A_241] : memref<50x4096x128xf32, #tpu.memory_space<hbm>> -> memref<1x128x128xf32, #tpu.memory_space<hbm>>
        %dma_wait3A_243 = tpu.memref_squeeze %dma_wait3A_242 : memref<1x128x128xf32, #tpu.memory_space<hbm>> -> memref<128x128xf32, #tpu.memory_space<hbm>>
        tpu.wait_dma2 semaphore(%arg12 : memref<!tpu.dma_semaphore, #tpu.memory_space<semaphore_mem>>) src(%dma_wait3A_243 : memref<128x128xf32, #tpu.memory_space<hbm>>) dst(%arg8 : memref<128x128xf32, #tpu.memory_space<vmem>>)
        %sub3A_244 = arith.constant 1 : i32
        %sub3A_245 = arith.subi %scan3A_35, %sub3A_244 : i32
        %dma_start3A = arith.constant 0 : i32
        %dma_start3A_246 = tpu.memref_slice %arg4[%sub3A_245, %mul3A_2, %dma_start3A] : memref<50x4096x128xf32, #tpu.memory_space<hbm>> -> memref<1x128x128xf32, #tpu.memory_space<hbm>>
        %dma_start3A_247 = tpu.memref_squeeze %dma_start3A_246 : memref<1x128x128xf32, #tpu.memory_space<hbm>> -> memref<128x128xf32, #tpu.memory_space<hbm>>
        %dma_start3A_248 = arith.constant 0 : i32
        %dma_start3A_249 = tpu.memref_slice %arg4[%sub3A_245, %mul3A_2, %dma_start3A_248] : memref<50x4096x128xf32, #tpu.memory_space<hbm>> -> memref<1x128x128xf32, #tpu.memory_space<hbm>>
        %dma_start3A_250 = tpu.memref_squeeze %dma_start3A_249 : memref<1x128x128xf32, #tpu.memory_space<hbm>> -> memref<128x128xf32, #tpu.memory_space<hbm>>
        tpu.enqueue_dma source(%arg8 : memref<128x128xf32, #tpu.memory_space<vmem>>) target(%dma_start3A_250 : memref<128x128xf32, #tpu.memory_space<hbm>>) target_semaphore(%arg16 : memref<!tpu.dma_semaphore, #tpu.memory_space<semaphore_mem>>)
      } else {
      }
      %sub3A_207 = arith.constant 1 : i32
      %sub3A_208 = arith.subi %scan3A_35, %sub3A_207 : i32
      %jit3A_209 = arith.constant 4 : i32
      %eq3A_210 = arith.constant 0 : i32
      %eq3A_211 = arith.cmpi eq, %jit3A_209, %eq3A_210 : i32
      %jit3A_212 = arith.constant 1 : i32
      %select_n3A_213 = arith.select %eq3A_211, %jit3A_212, %jit3A_209 : i32
      %rem3A_214 = arith.remsi %sub3A_208, %select_n3A_213 : i32
      %ne3A_215 = arith.constant 0 : i32
      %ne3A_216 = arith.cmpi ne, %rem3A_214, %ne3A_215 : i32
      %lt3A_217 = arith.constant 0 : i32
      %lt3A_218 = arith.cmpi slt, %rem3A_214, %lt3A_217 : i32
      %lt3A_219 = arith.constant 0 : i32
      %lt3A_220 = arith.cmpi slt, %select_n3A_213, %lt3A_219 : i32
      %ne3A_221 = arith.xori %lt3A_218, %lt3A_220 : i1
      %and3A_222 = arith.andi %ne3A_221, %ne3A_216 : i1
      %add3A_223 = arith.addi %rem3A_214, %select_n3A_213 : i32
      %select_n3A_224 = arith.select %and3A_222, %add3A_223, %rem3A_214 : i32
      %eq3A_225 = arith.constant 3 : i32
      %eq3A_226 = arith.cmpi eq, %select_n3A_224, %eq3A_225 : i32
      %ge3A_227 = arith.constant 1 : i32
      %ge3A_228 = arith.cmpi sge, %scan3A_35, %ge3A_227 : i32
      %and3A_229 = arith.andi %eq3A_226, %ge3A_228 : i1
      %le3A_230 = arith.constant 50 : i32
      %le3A_231 = arith.cmpi sle, %scan3A_35, %le3A_230 : i32
      %and3A_232 = arith.andi %and3A_229, %le3A_231 : i1
      %convert_element_type3A_233 = arith.extui %and3A_232 : i1 to i32
      %cond3A_234 = arith.constant 0 : i32
      %cond3A_235 = arith.cmpi ne, %convert_element_type3A_233, %cond3A_234 : i32
      scf.if %cond3A_235 {
        %sub3A_236 = arith.constant 1 : i32
        %sub3A_237 = arith.subi %scan3A_35, %sub3A_236 : i32
        %dma_wait3A_238 = arith.constant 0 : i32
        %dma_wait3A_239 = tpu.memref_slice %arg4[%sub3A_237, %mul3A_2, %dma_wait3A_238] : memref<50x4096x128xf32, #tpu.memory_space<hbm>> -> memref<1x128x128xf32, #tpu.memory_space<hbm>>
        %dma_wait3A_240 = tpu.memref_squeeze %dma_wait3A_239 : memref<1x128x128xf32, #tpu.memory_space<hbm>> -> memref<128x128xf32, #tpu.memory_space<hbm>>
        %dma_wait3A_241 = arith.constant 0 : i32
        %dma_wait3A_242 = tpu.memref_slice %arg4[%sub3A_237, %mul3A_2, %dma_wait3A_241] : memref<50x4096x128xf32, #tpu.memory_space<hbm>> -> memref<1x128x128xf32, #tpu.memory_space<hbm>>
        %dma_wait3A_243 = tpu.memref_squeeze %dma_wait3A_242 : memref<1x128x128xf32, #tpu.memory_space<hbm>> -> memref<128x128xf32, #tpu.memory_space<hbm>>
        tpu.wait_dma2 semaphore(%arg13 : memref<!tpu.dma_semaphore, #tpu.memory_space<semaphore_mem>>) src(%dma_wait3A_243 : memref<128x128xf32, #tpu.memory_space<hbm>>) dst(%arg9 : memref<128x128xf32, #tpu.memory_space<vmem>>)
        %sub3A_244 = arith.constant 1 : i32
        %sub3A_245 = arith.subi %scan3A_35, %sub3A_244 : i32
        %dma_start3A = arith.constant 0 : i32
        %dma_start3A_246 = tpu.memref_slice %arg4[%sub3A_245, %mul3A_2, %dma_start3A] : memref<50x4096x128xf32, #tpu.memory_space<hbm>> -> memref<1x128x128xf32, #tpu.memory_space<hbm>>
        %dma_start3A_247 = tpu.memref_squeeze %dma_start3A_246 : memref<1x128x128xf32, #tpu.memory_space<hbm>> -> memref<128x128xf32, #tpu.memory_space<hbm>>
        %dma_start3A_248 = arith.constant 0 : i32
        %dma_start3A_249 = tpu.memref_slice %arg4[%sub3A_245, %mul3A_2, %dma_start3A_248] : memref<50x4096x128xf32, #tpu.memory_space<hbm>> -> memref<1x128x128xf32, #tpu.memory_space<hbm>>
        %dma_start3A_250 = tpu.memref_squeeze %dma_start3A_249 : memref<1x128x128xf32, #tpu.memory_space<hbm>> -> memref<128x128xf32, #tpu.memory_space<hbm>>
        tpu.enqueue_dma source(%arg9 : memref<128x128xf32, #tpu.memory_space<vmem>>) target(%dma_start3A_250 : memref<128x128xf32, #tpu.memory_space<hbm>>) target_semaphore(%arg17 : memref<!tpu.dma_semaphore, #tpu.memory_space<semaphore_mem>>)
      } else {
      }
    }
    %scan3A_7 = arith.constant 51 : i32
    %dma_wait3A = arith.constant 0 : i32
    %dma_wait3A_8 = arith.constant 0 : i32
    %dma_wait3A_9 = tpu.memref_slice %arg4[%dma_wait3A, %mul3A_2, %dma_wait3A_8] : memref<50x4096x128xf32, #tpu.memory_space<hbm>> -> memref<1x128x128xf32, #tpu.memory_space<hbm>>
    %dma_wait3A_10 = tpu.memref_squeeze %dma_wait3A_9 : memref<1x128x128xf32, #tpu.memory_space<hbm>> -> memref<128x128xf32, #tpu.memory_space<hbm>>
    %dma_wait3A_11 = arith.constant 0 : i32
    %dma_wait3A_12 = tpu.memref_slice %arg4[%dma_wait3A, %mul3A_2, %dma_wait3A_11] : memref<50x4096x128xf32, #tpu.memory_space<hbm>> -> memref<1x128x128xf32, #tpu.memory_space<hbm>>
    %dma_wait3A_13 = tpu.memref_squeeze %dma_wait3A_12 : memref<1x128x128xf32, #tpu.memory_space<hbm>> -> memref<128x128xf32, #tpu.memory_space<hbm>>
    tpu.wait_dma2 semaphore(%arg14 : memref<!tpu.dma_semaphore, #tpu.memory_space<semaphore_mem>>) src(%dma_wait3A_13 : memref<128x128xf32, #tpu.memory_space<hbm>>) dst(%arg6 : memref<128x128xf32, #tpu.memory_space<vmem>>)
    %dma_wait3A_14 = arith.constant 0 : i32
    %dma_wait3A_15 = arith.constant 0 : i32
    %dma_wait3A_16 = tpu.memref_slice %arg4[%dma_wait3A_14, %mul3A_2, %dma_wait3A_15] : memref<50x4096x128xf32, #tpu.memory_space<hbm>> -> memref<1x128x128xf32, #tpu.memory_space<hbm>>
    %dma_wait3A_17 = tpu.memref_squeeze %dma_wait3A_16 : memref<1x128x128xf32, #tpu.memory_space<hbm>> -> memref<128x128xf32, #tpu.memory_space<hbm>>
    %dma_wait3A_18 = arith.constant 0 : i32
    %dma_wait3A_19 = tpu.memref_slice %arg4[%dma_wait3A_14, %mul3A_2, %dma_wait3A_18] : memref<50x4096x128xf32, #tpu.memory_space<hbm>> -> memref<1x128x128xf32, #tpu.memory_space<hbm>>
    %dma_wait3A_20 = tpu.memref_squeeze %dma_wait3A_19 : memref<1x128x128xf32, #tpu.memory_space<hbm>> -> memref<128x128xf32, #tpu.memory_space<hbm>>
    tpu.wait_dma2 semaphore(%arg15 : memref<!tpu.dma_semaphore, #tpu.memory_space<semaphore_mem>>) src(%dma_wait3A_20 : memref<128x128xf32, #tpu.memory_space<hbm>>) dst(%arg7 : memref<128x128xf32, #tpu.memory_space<vmem>>)
    %dma_wait3A_21 = arith.constant 0 : i32
    %dma_wait3A_22 = arith.constant 0 : i32
    %dma_wait3A_23 = tpu.memref_slice %arg4[%dma_wait3A_21, %mul3A_2, %dma_wait3A_22] : memref<50x4096x128xf32, #tpu.memory_space<hbm>> -> memref<1x128x128xf32, #tpu.memory_space<hbm>>
    %dma_wait3A_24 = tpu.memref_squeeze %dma_wait3A_23 : memref<1x128x128xf32, #tpu.memory_space<hbm>> -> memref<128x128xf32, #tpu.memory_space<hbm>>
    %dma_wait3A_25 = arith.constant 0 : i32
    %dma_wait3A_26 = tpu.memref_slice %arg4[%dma_wait3A_21, %mul3A_2, %dma_wait3A_25] : memref<50x4096x128xf32, #tpu.memory_space<hbm>> -> memref<1x128x128xf32, #tpu.memory_space<hbm>>
    %dma_wait3A_27 = tpu.memref_squeeze %dma_wait3A_26 : memref<1x128x128xf32, #tpu.memory_space<hbm>> -> memref<128x128xf32, #tpu.memory_space<hbm>>
    tpu.wait_dma2 semaphore(%arg16 : memref<!tpu.dma_semaphore, #tpu.memory_space<semaphore_mem>>) src(%dma_wait3A_27 : memref<128x128xf32, #tpu.memory_space<hbm>>) dst(%arg8 : memref<128x128xf32, #tpu.memory_space<vmem>>)
    %dma_wait3A_28 = arith.constant 0 : i32
    %dma_wait3A_29 = arith.constant 0 : i32
    %dma_wait3A_30 = tpu.memref_slice %arg4[%dma_wait3A_28, %mul3A_2, %dma_wait3A_29] : memref<50x4096x128xf32, #tpu.memory_space<hbm>> -> memref<1x128x128xf32, #tpu.memory_space<hbm>>
    %dma_wait3A_31 = tpu.memref_squeeze %dma_wait3A_30 : memref<1x128x128xf32, #tpu.memory_space<hbm>> -> memref<128x128xf32, #tpu.memory_space<hbm>>
    %dma_wait3A_32 = arith.constant 0 : i32
    %dma_wait3A_33 = tpu.memref_slice %arg4[%dma_wait3A_28, %mul3A_2, %dma_wait3A_32] : memref<50x4096x128xf32, #tpu.memory_space<hbm>> -> memref<1x128x128xf32, #tpu.memory_space<hbm>>
    %dma_wait3A_34 = tpu.memref_squeeze %dma_wait3A_33 : memref<1x128x128xf32, #tpu.memory_space<hbm>> -> memref<128x128xf32, #tpu.memory_space<hbm>>
    tpu.wait_dma2 semaphore(%arg17 : memref<!tpu.dma_semaphore, #tpu.memory_space<semaphore_mem>>) src(%dma_wait3A_34 : memref<128x128xf32, #tpu.memory_space<hbm>>) dst(%arg9 : memref<128x128xf32, #tpu.memory_space<vmem>>)
    return
  }
}

</mosaic_0001>

<sc_bundles>
// kernel: _sc_gather.3.cloned.1.call-start
scs
__scs_entry_jumppad:
0x0: {  	(pc) =	sbr.rel $0x88, $3  }
0x1: {  	(tag) =	ssettag $0x0;
	lr =	simm.s32 $0x1  }
0x2: {  	[smem:$0x3F9F] =	sst lr;
	_ =	strace $0xD0000000  }
0x3: {  	_ = 	snop  }
0x4: {  	_ = 	snop  }
0x5: {  	_ = 	snop  }
0x6: {  	_ = 	snop  }
0x7: {  	_ = 	snop  }
__scs_overlays_trampoline_lowered:
0x8: {  	[smem:$0x3FAE] =	sst s0  }
0x9: {  	[smem:$0x3FAF] =	sst s1  }
0xa: {  	[smem:$0x3FB0] =	sst s2  }
0xb: {  	[smem:$0x3FB1] =	sst s3  }
0xc: {  	[smem:$0x3FB2] =	sst s4  }
0xd: {  	[smem:$0x3FB3] =	sst s5  }
0xe: {  	[smem:$0x3FB4] =	sst s6  }
0xf: {  	[smem:$0x3FB5] =	sst s7  }
0x10: {  	[smem:$0x3FB6] =	sst s8  }
0x11: {  	[smem:$0x3FB7] =	sst s9;
	s0 =	simm.s32 @!p0 $0x0  }
0x12: {  	s1 =	sld [smem:$0x3F9D];
	s0 =	simm.s32 @p0 $0x1  }
0x13: {  	[smem:$0x3FB8] =	sst s0;
	s0 =	simm.s32 @!p1 $0x0  }
0x14: {  	s2 =	sld [smem:$0x3F9C];
	s0 =	simm.s32 @p1 $0x1  }
0x15: {  	[smem:$0x3FB9] =	sst s0;
	s0 =	simm.s32 @!p2 $0x0  }
0x16: {  	s3 =	sld [smem:$0x3FDB];
	s0 =	simm.s32 @p2 $0x1  }
0x17: {  	s4 =	simm.s32 $0x1BF5;
	[smem:$0x3FBB] =	sst s0  }
0x18: {  	s0 =	sld [smem:$0x3F9E];
	_ =	swait.ge [sflag:s4], $0x0  }
0x19: {  	s7 =	sld [smem:$0x3F9F]  }
0x1a: {  	s8 =	sadd.s32 $0xFFFFE003, lr  }
0x1b: {  	s9 =	sadd.s32 $0xFFFFFEF7, lr;
	s5 =	simm.s32 $0xFFFFFFFF;
	p2 =	slt.u32 s8, $0xFFFFF086  }
0x1c: {  	p1 =	slt.u32 s9, $0xF7A;
	s5 =	simm.s32 @!p2 $0x0  }
0x1d: {  	s5 =	simm.s32 @p1 $0x1;
	p0 =	seq.s32 s7, s2  }
0x1e: {  	s7 =	smul.u32 @!p0 $0xF7A, s2;
	p2 =	seq.s32 @!p0 s5, $0x0  }
0x1f: {  	s9 =	smul.u32 $0xF7A, s1;
	s8 =	simm.s32 @!p0 $0x1BF5;
	p2 =	por !p2, p0  }
0x20: {  	[sflag:s8] =	ssyncset.s32 @!p0 $0xFFFFF086;
	s6 =	sadd.s32 @!p0 s3, s7;
	s7 =	simm.s32 @!p0 $0x108  }
0x21: {  	s3 =	sadd.s32 s3, s9;
	s6 =	sadd.s32 @!p0 $0x88, s6;
	s7 =	simm.s32 @p2 $0x1082  }
0x22: {  	[simem:s7], [sflag:s8] =	dma.local @!p0 [hbm:s6], $0xF7A  }
0x23: {  	s9 =	sor.u32 $0xD0000000, s2;
	s6 =	simm.s32 $0x108;
	_ =	swait.ge @!p0 [sflag:s8], $0x0  }
0x24: {  	s3 =	sadd.s32 $0x88, s3;
	s6 =	simm.s32 @!p1 $0x1082;
	[sflag:s4] =	ssyncset.s32 $0xFFFFF086  }
0x25: {  	[simem:s6], [sflag:s4] =	dma.local [hbm:s3], $0xF7A  }
0x26: {  	[smem:$0x3F9F] =	sst s1;
	(tag) =	ssettag s2;
	_ =	strace s9  }
0x27: {  	s1 =	sld [smem:$0x3FAF]  }
0x28: {  	s2 =	sld [smem:$0x3FB0]  }
0x29: {  	s4 =	sld [smem:$0x3FB2]  }
0x2a: {  	p0 =	seq.s32 s5, $0x0;
	s5 =	sld [smem:$0x3FB3]  }
0x2b: {  	s6 =	sld [smem:$0x3FB4]  }
0x2c: {  	s7 =	sld [smem:$0x3FB5]  }
0x2d: {  	s3 =	simm.s32 $0x108;
	s8 =	sld [smem:$0x3FB6]  }
0x2e: {  	s3 =	simm.s32 @!p0 $0x1082;
	s9 =	sld [smem:$0x3FB7]  }
0x2f: {  	lr =	sadd.s32 s0, s3;
	s0 =	sld [smem:$0x3FAE]  }
0x30: {  	s3 =	sld [smem:$0x3FB1]  }
0x31: {  	[smem:$0x3FBA] =	sst s10  }
0x32: {  	s10 =	sld [smem:$0x3FB8];
	_ =	sdelay $0x3  }
0x33: {  	p0 =	seq.s32 s10, $0x1;
	s10 =	sld [smem:$0x3FBA];
	_ =	sdelay $0x3  }
0x34: {  	[smem:$0x3FBA] =	sst s10  }
0x35: {  	s10 =	sld [smem:$0x3FB9];
	_ =	sdelay $0x3  }
0x36: {  	p1 =	seq.s32 s10, $0x1;
	s10 =	sld [smem:$0x3FBA];
	_ =	sdelay $0x3  }
0x37: {  	[smem:$0x3FBA] =	sst s10  }
0x38: {  	s10 =	sld [smem:$0x3FBB]  }
0x39: {  	_ = 	snop;
	(pc) =	sbr.ind lr, $3  }
0x3a: {  	_ = 	snop  }
0x3b: {  	_ = 	snop  }
0x3c: {  	p2 =	seq.s32 s10, $0x1;
	s10 =	sld [smem:$0x3FBA]  }
0x3d: {  	_ =	shalt  }
0x3e: {  	_ =	shalt  }
0x3f: {  	_ =	shalt  }
0x40: {  	_ =	shalt  }
0x41: {  	_ =	shalt  }
0x42: {  	_ =	shalt  }
0x43: {  	_ =	shalt  }
0x44: {  	_ =	shalt  }
0x45: {  	_ =	shalt  }
0x46: {  	_ =	shalt  }
0x47: {  	_ =	shalt  }
0x48: {  	_ =	shalt  }
0x49: {  	_ =	shalt  }
0x4a: {  	_ =	shalt  }
0x4b: {  	_ =	shalt  }
0x4c: {  	_ =	shalt  }
0x4d: {  	_ =	shalt  }
0x4e: {  	_ =	shalt  }
0x4f: {  	_ =	shalt  }
0x50: {  	_ =	shalt  }
0x51: {  	_ =	shalt  }
0x52: {  	_ =	shalt  }
0x53: {  	_ =	shalt  }
0x54: {  	_ =	shalt  }
0x55: {  	_ =	shalt  }
0x56: {  	_ =	shalt  }
0x57: {  	_ =	shalt  }
0x58: {  	_ =	shalt  }
0x59: {  	_ =	shalt  }
0x5a: {  	_ =	shalt  }
0x5b: {  	_ =	shalt  }
0x5c: {  	_ =	shalt  }
0x5d: {  	_ =	shalt  }
0x5e: {  	_ =	shalt  }
0x5f: {  	_ =	shalt  }
0x60: {  	_ =	shalt  }
0x61: {  	_ =	shalt  }
0x62: {  	_ =	shalt  }
0x63: {  	_ =	shalt  }
0x64: {  	_ =	shalt  }
0x65: {  	_ =	shalt  }
0x66: {  	_ =	shalt  }
0x67: {  	_ =	shalt  }
0x68: {  	_ =	shalt  }
0x69: {  	_ =	shalt  }
0x6a: {  	_ =	shalt  }
0x6b: {  	_ =	shalt  }
0x6c: {  	_ =	shalt  }
0x6d: {  	_ =	shalt  }
0x6e: {  	_ =	shalt  }
0x6f: {  	_ =	shalt  }
0x70: {  	_ =	shalt  }
0x71: {  	_ =	shalt  }
0x72: {  	_ =	shalt  }
0x73: {  	_ =	shalt  }
0x74: {  	_ =	shalt  }
0x75: {  	_ =	shalt  }
0x76: {  	_ =	shalt  }
0x77: {  	_ =	shalt  }
0x78: {  	_ =	shalt  }
0x79: {  	_ =	shalt  }
0x7a: {  	_ =	shalt  }
0x7b: {  	_ =	shalt  }
0x7c: {  	_ =	shalt  }
0x7d: {  	_ =	shalt  }
0x7e: {  	_ =	shalt  }
0x7f: {  	_ =	shalt  }
0x80: {  	_ =	shalt  }
0x81: {  	_ =	shalt  }
0x82: {  	_ =	shalt  }
0x83: {  	_ =	shalt  }
0x84: {  	_ =	shalt  }
0x85: {  	_ =	shalt  }
0x86: {  	_ =	shalt  }
0x87: {  	_ =	shalt  }
.Lfunc_end0:
.L_simem_size_0:
called_computation_lowered:
.L_overlay_start_0:
0x88: {  	s2 =	sld [smem:$0x3FD9]  }
0x89: {  	s3 =	sld [smem:$0x3FFE];
	_ =	sdelay $0x1  }
0x8a: {  	s1 =	srdreg.scid  }
0x8b: {  	s0 =	sand.u32 $0x1, s1  }
0x8c: {  	s18 =	sshll.u32 s0, $0xA;
	s2 =	sadd.s32 s3, s2  }
0x8d: {  	s2 =	sadd.s32 s2, s18  }
0x8e: {  	[smem:$0x3FC6] =	sst s2  }
0x8f: {  	_ = 	snop  }
0x90: {  	s2 =	sld [smem:$0x3FC9]  }
0x91: {  	s19 =	sld [smem:$0x3FC8]  }
0x92: {  	s4 =	sld [smem:$0x3FD0];
	(tm) =	ssettm $0x1  }
0x93: {  	s5 =	sld [smem:$0x3FFB];
	_ =	sdelay $0x3  }
0x94: {  	_ =	strace s5  }
0x95: {  	s5 =	sld [smem:$0x3FFC];
	_ =	sdelay $0x3  }
0x96: {  	_ =	strace s5  }
0x97: {  	s5 =	sld [smem:$0x3FFD];
	_ =	sdelay $0x3  }
0x98: {  	_ =	strace s5  }
0x99: {  	_ =	strace $0x8FFFFFFF  }
0x9a: {  	s20 =	sld [smem:$0x3FDB];
	_ =	sdelay $0x1  }
0x9b: {  	s6 =	simm.s32 $_scs_section_size  }
0x9c: {  	s7 =	simm.s32 $_size__tile_overlayer_lowered;
	s8 =	simm.s32 $_tile_overlayer_lowered  }
0x9d: {  	s23 =	simm.s32 $0x1BFF;
	s22 =	sshll.u32 s8, $0x1;
	s5 =	sadd.s32 s6, s20  }
0x9e: {  	s9 =	simm.s32 $0x0;
	s21 =	sshll.u32 s7, $0x1;
	s7 =	sadd.s32 s22, s5  }
0x9f: {  	[timem:s9], [sflag:s23] =	dma.local [hbm:s7], s21  }
0xa0: {  	_ =	swait.ge [sflag:s23], s21  }
0xa1: {  	s6 =	ssub.s32 $0x0, s21;
	[sflag:s23] =	ssyncset.done $0x0  }
0xa2: {  	[sflag:s23] =	ssyncadd.s32 s6;
	_ =	sdelay $0x1  }
0xa3: {  	s24 =	simm.s32 $0x1B8B  }
0xa4: {  	_ =	swait.ge [sflag:s24], $0x1  }
0xa5: {  	[sflag:s24] =	ssyncset.done $0x0  }
0xa6: {  	s25 =	simm.s32 $0x1B8E;
	[sflag:s24] =	ssyncadd.s32 $0xFFFFFFFF  }
0xa7: {  	s26 =	simm.s32 $execute0_lowered;
	[smem:$0x3FD2] =	sst s25  }
0xa8: {  	s6 =	sshll.u32 s26, $0x1;
	_ =	strace $0x80000046;
	[dreg:$0x1] =	wrdreg $0xFFFFFFFF  }
0xa9: {  	s28 =	simm.s32 $_size_execute0_lowered;
	s5 =	sadd.s32 s5, s6;
	[dreg:$0x0] =	wrdreg $0x0  }
0xaa: {  	s6 =	sshll.u32 s28, $0x1;
	[dreg:$0x2] =	wrdreg s5  }
0xab: {  	[dreg:$0x3] =	wrdreg s6  }
0xac: {  	[dreg:$0x4] =	wrdreg $0xC0  }
0xad: {  	_ =	task [dreg:s9], $0x5FFFF  }
0xae: {  	[dreg:$0x1] =	wrdreg $0xFFFFFFFF  }
0xaf: {  	[dreg:$0x0] =	wrdreg $0x60  }
0xb0: {  	[dreg:$0x2] =	wrdreg s2  }
0xb1: {  	[dreg:$0x3] =	wrdreg s19  }
0xb2: {  	[dreg:$0x4] =	wrdreg s4  }
0xb3: {  	[dreg:$0x5] =	wrdreg $0x9  }
0xb4: {  	_ =	task.clear_ibuf [dreg:s9], $0x6FFFF;
	_ =	strace $0x90000046  }
0xb5: {  	s29 =	simm.s32 $0x9;
	_ =	strace $0x80000048  }
0xb6: {  	_ =	swait.ge [sflag:s29], $0x1  }
0xb7: {  	[sflag:s29] =	ssyncadd.s32 $0xFFFFFFFF  }
0xb8: {  	_ =	strace $0x90000048  }
0xb9: {  	_ =	sfence  }
0xba: {  	s30 =	sld [smem:$0x0];
	_ =	sdelay $0x2  }
0xbb: {  	s31 =	sshll.u32 s1, $0xD;
	s1 =	sshrl.u32 s1, $0x2  }
0xbc: {  	s3 =	sand.u32 $0x4000, s31;
	s1 =	sadd.s32 s1, s30  }
0xbd: {  	s0 =	sor.u32 s3, s0;
	s1 =	sshll.u32 s1, $0x11  }
0xbe: {  	s0 =	sor.u32 s1, s0  }
0xbf: {  	s0 =	sadd.s32 $0x8F2B, s0  }
0xc0: {  	[sflag:s0] =	ssyncadd.remote.s32 $0x1  }
0xc1: {  	_ =	sfence.sel $0xFFFF  }
0xc2: {  	[dreg:$0x0] =	wrdreg $0xFFFFFFFF;
	(pc) =	sbr.abs _section_cstart, $3  }
0xc3: {  	[dreg:$0x1] =	wrdreg $0xFFFFFFFF  }
0xc4: {  	_ =	task.clear_ibuf [dreg:s9], $0x2FFFF;
	_ =	strace $0x9FFFFFFF  }
0xc5: {  	(tm) =	ssettm $0x7FFFFFFF  }
tec
execute0_lowered:
.L_overlay_start_1:
0x0: {  	(tag) =	ssettag $0x1  }
0x1: {  	s5 =	rddreg [dreg:$0x0]  }
0x2: {  	s1 =	rddreg [dreg:$0x1]  }
0x3: {  	s2 =	rddreg [dreg:$0x2]  }
0x4: {  	s4 =	simm.s32 $0x0;
	s6 =	srdreg.scid;
	s3 =	stileid.u32  }
0x5: {  	s11 =	simm.s32 $0x1800;
	s12 =	simm.s32 $0x9;
	s13 =	simm.s32 $0x40  }
0x6: {  	s14 =	simm.s32 $0x5C00;
	s15 =	simm.s32 $0x7C00;
	s16 =	simm.s32 $0x5  }
0x7: {  	s17 =	simm.s32 $0x6;
	s18 =	simm.s32 $0x7;
	s19 =	simm.s32 $0x8  }
0x8: {  	s20 =	simm.s32 $0x1C00;
	s21 =	simm.s32 $0x3C00;
	s22 =	simm.s32 $0x9C00  }
0x9: {  	s23 =	simm.s32 $0xBC00;
	s24 =	simm.s32 $0x0;
	[smem:$0x7FF] =	sst s4  }
0xa: {  	s6 =	sand.u32 $0x1, s6;
	s8 =	sshll.u32 s3, $0x8;
	s30 =	sshll.u32 s3, $0xF  }
.Ltmp0:
0xb: {  	s7 =	ssub.s32 $0x2, s6;
	s9 =	sshll.u32 s6, $0x7;
	(pc) =	sbr.rel .LBB2_1-.Ltmp0, $4  }
0xc: {  	_ =	strace $0x80000047;
	s31 =	sshll.u32 s6, $0xE;
	s8 =	sor.u32 s9, s8  }
0xd: {  	s10 =	sshrl.u32 s7, $0x1;
	s9 =	simm.s32 $0x400;
	s5 =	sadd.s32 s5, s8  }
0xe: {  	s7 =	ssub.s32 s7, s10;
	s8 =	sor.u32 s31, s30;
	s10 =	simm.s32 $0x8000  }
0xf: {  	s6 =	sadd.s32 $0x6000, s5;
	s7 =	smax.u32 s7, $0x1;
	s8 =	sor.u32 $0xFFF80000, s8  }
.LBB2_10:
0x10: {  	_ =	swait.ge [sflag:s16], $0x4000  }
0x11: {  	[sflag:s16] =	ssyncset.done $0x0  }
0x12: {  	[sflag:s16] =	ssyncadd.s32 $0xFFFFC000  }
0x13: {  	_ =	swait.ge [sflag:s17], $0x4000  }
0x14: {  	[sflag:s17] =	ssyncset.done $0x0  }
0x15: {  	s24 =	sadd.s32 $0x1, s24;
	[sflag:s17] =	ssyncadd.s32 $0xFFFFC000  }
0x16: {  	p0 =	sne.s32 s24, s7;
	_ =	swait.ge [sflag:s18], $0x4000  }
.Ltmp1:
0x17: {  	[sflag:s18] =	ssyncset.done $0x0;
	(pc) =	sbr.rel @!p0 .LBB2_11-.Ltmp1, $4  }
0x18: {  	[sflag:s18] =	ssyncadd.s32 $0xFFFFC000  }
0x19: {  	_ =	swait.ge [sflag:s19], $0x4000  }
0x1a: {  	[sflag:s19] =	ssyncset.done $0x0  }
0x1b: {  	[sflag:s19] =	ssyncadd.s32 $0xFFFFC000  }
.LBB2_1:
0x1c: {  	[tilespmem:s4], [sflag:$0x9] =	stream.strided.gather [hbm4b:s5+s9], $0x1800, s10, s9, $0x38;
	[tilespmem:$0x11C00] =	vst v63  }
.Ltmp2:
0x1d: {  	_ = 	snop;
	(pc) =	sbr.rel .LBB2_2-.Ltmp2, $4  }
0x1e: {  	[tilespmem:s11], [sflag:$0x9] =	stream.linear.gather [hbm4b:s6+s4], $0x100, $0x38;
	[tilespmem:$0x11C00] =	vst v63  }
0x1f: {  	_ =	swait.ge [sflag:s12], $0x1900  }
0x20: {  	s25 =	smov.u32 s8;
	[sflag:s12] =	ssyncset.done $0x0  }
0x21: {  	s26 =	simm.s32 $0x0;
	s28 =	simm.s32 $0x0;
	[sflag:s12] =	ssyncadd.s32 $0xFFFFE700  }
.LBB2_5:
0x22: {  	p0 =	slt.u32 s28, $0x4  }
0x23: {  	s29 =	simm.s32 @!p0 $0x6  }
0x24: {  	_ =	swait.ge @!p0 [sflag:s29], $0x4000  }
0x25: {  	[sflag:s29] =	ssyncset.done @!p0 $0x0  }
0x26: {  	[sflag:s29] =	ssyncadd.s32 @!p0 $0xFFFFC000  }
0x27: {  	[tilespmem:s14], [sflag:$0x2] =	stream.indirect.gather [hbm4b:s1+s13], $0x80, s26, s13, $0xb8;
	[tilespmem:$0x11C00] =	vst v63  }
0x28: {  	s31 =	sadd.s32 $0x40, s26  }
0x29: {  	[tilespmem:s15], [sflag:$0x2] =	stream.indirect.gather [hbm4b:s1+s13], $0x80, s31, s13, $0xb8;
	[tilespmem:$0x11C00] =	vst v63  }
.LBB2_9:
0x2a: {  	s29 =	sadd.s32 $0xFFFFFFFF, s28  }
0x2b: {  	s29 =	sand.u32 $0x3, s29  }
0x2c: {  	p0 =	sgt.s32 s29, $0x1  }
0x2d: {  	p1 =	seq.s32 @p0 s29, $0x2  }
0x2e: {  	p2 =	por !p1, !p0  }
0x2f: {  	s30 =	simm.s32 @!p2 $0x3  }
0x30: {  	_ =	swait.ge @!p2 [sflag:s30], $0x4000  }
0x31: {  	s31 =	sshrl.u32 @!p2 s25, $0x3;
	s0 =	simm.s32 @!p2 $0x9C00;
	[sflag:s30] =	ssyncset.done @!p2 $0x0  }
0x32: {  	s31 =	sadd.s32 @!p2 s2, s31;
	[sflag:s30] =	ssyncadd.s32 @!p2 $0xFFFFC000;
	s30 =	simm.s32 @!p2 $0x0  }
0x33: {  	[hbm4b:s31+s30] =	stream.linear.scatter @!p2 [tilespmem:s0], [sflag:$0x7], $0x4000, $0x38;
	[tilespmem:$0x11C00] =	vst v63  }
0x34: {  	p2 =	por p1, !p0  }
0x35: {  	p2 =	seq.s32 @!p2 s28, $0x0  }
0x36: {  	p1 =	por @p0 p2, p1  }
0x37: {  	p1 =	por p1, !p0  }
0x38: {  	s0 =	simm.s32 @!p1 $0x4  }
0x39: {  	_ =	swait.ge @!p1 [sflag:s0], $0x4000  }
0x3a: {  	s30 =	sshrl.u32 @!p1 s25, $0x3;
	s31 =	simm.s32 @!p1 $0xDC00;
	[sflag:s0] =	ssyncset.done @!p1 $0x0  }
0x3b: {  	s30 =	sadd.s32 @!p1 s2, s30;
	[sflag:s0] =	ssyncadd.s32 @!p1 $0xFFFFC000;
	s0 =	simm.s32 @!p1 $0x0  }
0x3c: {  	[hbm4b:s30+s0] =	stream.linear.scatter @!p1 [tilespmem:s31], [sflag:$0x8], $0x4000, $0x38;
	[tilespmem:$0x11C00] =	vst v63  }
0x3d: {  	p1 =	seq.s32 @!p0 s29, $0x0  }
0x3e: {  	p2 =	por !p1, p0  }
0x3f: {  	s0 =	simm.s32 @!p2 $0x1  }
0x40: {  	p0 =	por p1, p0;
	_ =	swait.ge @!p2 [sflag:s0], $0x4000  }
0x41: {  	s29 =	sshrl.u32 @!p2 s25, $0x3;
	s30 =	simm.s32 @!p2 $0x1C00;
	[sflag:s0] =	ssyncset.done @!p2 $0x0  }
0x42: {  	s29 =	sadd.s32 @!p2 s2, s29;
	[sflag:s0] =	ssyncadd.s32 @!p2 $0xFFFFC000;
	s0 =	simm.s32 @!p2 $0x0  }
0x43: {  	[hbm4b:s29+s0] =	stream.linear.scatter @!p2 [tilespmem:s30], [sflag:$0x5], $0x4000, $0x38;
	[tilespmem:$0x11C00] =	vst v63  }
0x44: {  	s0 =	simm.s32 @!p0 $0x2  }
0x45: {  	s28 =	sadd.s32 $0x1, s28;
	_ =	swait.ge @!p0 [sflag:s0], $0x4000  }
0x46: {  	s29 =	sshrl.u32 @!p0 s25, $0x3;
	s30 =	simm.s32 @!p0 $0x5C00;
	[sflag:s0] =	ssyncset.done @!p0 $0x0  }
0x47: {  	s29 =	sadd.s32 @!p0 s2, s29;
	[sflag:s0] =	ssyncadd.s32 @!p0 $0xFFFFC000;
	s0 =	simm.s32 @!p0 $0x0  }
0x48: {  	[hbm4b:s29+s0] =	stream.linear.scatter @!p0 [tilespmem:s30], [sflag:$0x6], $0x4000, $0x38;
	[tilespmem:$0x11C00] =	vst v63  }
0x49: {  	p0 =	sne.s32 s28, $0x33  }
.Ltmp3:
0x4a: {  	_ = 	snop;
	(pc) =	sbr.rel @!p0 .LBB2_10-.Ltmp3, $2  }
0x4b: {  	_ =	sdelay $0x2  }
0x4c: {  	s26 =	sadd.s32 $0x80, s26;
	s25 =	sadd.s32 $0x80000, s25  }
.LBB2_2:
0x4d: {  	s29 =	sand.u32 $0x3, s28  }
0x4e: {  	p0 =	seq.s32 s29, $0x1  }
.Ltmp4:
0x4f: {  	_ = 	snop;
	(pc) =	sbr.rel @p0 .LBB2_5-.Ltmp4, $1  }
0x50: {  	_ =	sdelay $0x3  }
0x51: {  	p0 =	sne.s32 s29, $0x0  }
.Ltmp5:
0x52: {  	_ = 	snop;
	(pc) =	sbr.rel @p0 .LBB2_6-.Ltmp5, $1  }
0x53: {  	_ =	sdelay $0x3  }
0x54: {  	p0 =	slt.u32 s28, $0x4  }
0x55: {  	s29 =	simm.s32 @!p0 $0x5  }
0x56: {  	_ =	swait.ge @!p0 [sflag:s29], $0x4000  }
.Ltmp6:
0x57: {  	[sflag:s29] =	ssyncset.done @!p0 $0x0;
	(pc) =	sbr.rel .LBB2_9-.Ltmp6, $4  }
0x58: {  	[sflag:s29] =	ssyncadd.s32 @!p0 $0xFFFFC000  }
0x59: {  	[tilespmem:s20], [sflag:$0x1] =	stream.indirect.gather [hbm4b:s1+s13], $0x80, s26, s13, $0xb8;
	[tilespmem:$0x11C00] =	vst v63  }
0x5a: {  	s31 =	sadd.s32 $0x40, s26  }
0x5b: {  	[tilespmem:s21], [sflag:$0x1] =	stream.indirect.gather [hbm4b:s1+s13], $0x80, s31, s13, $0xb8;
	[tilespmem:$0x11C00] =	vst v63  }
.LBB2_6:
0x5c: {  	p0 =	seq.s32 s28, $0x32  }
0x5d: {  	p1 =	sne.s32 @!p0 s29, $0x2  }
0x5e: {  	p0 =	por p0, p1  }
.Ltmp7:
0x5f: {  	_ = 	snop;
	(pc) =	sbr.rel @p0 .LBB2_8-.Ltmp7, $1  }
0x60: {  	_ =	sdelay $0x3  }
0x61: {  	p0 =	slt.u32 s28, $0x4  }
0x62: {  	s29 =	simm.s32 @!p0 $0x7  }
0x63: {  	_ =	swait.ge @!p0 [sflag:s29], $0x4000  }
.Ltmp8:
0x64: {  	[sflag:s29] =	ssyncset.done @!p0 $0x0;
	(pc) =	sbr.rel .LBB2_9-.Ltmp8, $4  }
0x65: {  	[sflag:s29] =	ssyncadd.s32 @!p0 $0xFFFFC000  }
0x66: {  	[tilespmem:s22], [sflag:$0x3] =	stream.indirect.gather [hbm4b:s1+s13], $0x80, s26, s13, $0xb8;
	[tilespmem:$0x11C00] =	vst v63  }
0x67: {  	s31 =	sadd.s32 $0x40, s26  }
0x68: {  	[tilespmem:s23], [sflag:$0x3] =	stream.indirect.gather [hbm4b:s1+s13], $0x80, s31, s13, $0xb8;
	[tilespmem:$0x11C00] =	vst v63  }
.LBB2_8:
0x69: {  	p0 =	sne.s32 s29, $0x3  }
0x6a: {  	p1 =	slt.u32 @!p0 s28, $0x4  }
0x6b: {  	p1 =	por p1, p0  }
0x6c: {  	s29 =	simm.s32 @!p1 $0x8  }
0x6d: {  	_ =	swait.ge @!p1 [sflag:s29], $0x4000  }
.Ltmp9:
0x6e: {  	[sflag:s29] =	ssyncset.done @!p1 $0x0;
	(pc) =	sbr.rel .LBB2_9-.Ltmp9, $4  }
0x6f: {  	s30 =	simm.s32 @!p0 $0xDC00;
	[sflag:s29] =	ssyncadd.s32 @!p1 $0xFFFFC000;
	s29 =	simm.s32 @!p0 $0x40  }
0x70: {  	[tilespmem:s30], [sflag:$0x4] =	stream.indirect.gather @!p0 [hbm4b:s1+s29], $0x80, s26, s29, $0xb8;
	[tilespmem:$0x11C00] =	vst v63  }
0x71: {  	s31 =	simm.s32 @!p0 $0xFC00;
	s30 =	sadd.s32 @!p0 $0x40, s26  }
0x72: {  	[tilespmem:s31], [sflag:$0x4] =	stream.indirect.gather @!p0 [hbm4b:s1+s29], $0x80, s30, s29, $0xb8;
	[tilespmem:$0x11C00] =	vst v63  }
.LBB2_11:
0x73: {  	_ =	sfence.sel $0x180000  }
0x74: {  	[bflag:$0x0] =	sbarrier.arrive $0xFFFF  }
0x75: {  	_ =	strace $0x90000047  }
0x76: {  	[bflag:$0x2] =	sbarrier.arrive $0xFFFF  }
0x77: {  	p0 =	sne.s32 s3, $0x0;
	s0 =	rddreg [dreg:$0x3]  }
0x78: {  	s0 =	sadd.s32 @!p0 $0x100000, s0  }
0x79: {  	[sflag:s0] =	ssyncadd.tile.s32 @!p0 $0x1;
	_ =	shalt  }
.Lfunc_end2:
_tile_overlayer_lowered:
.L_overlay_start_2:
0x7a: {  	(tag) =	ssettag $0x2  }
0x7b: {  	s0 =	rddreg [dreg:$0x0];
	s2 =	stileid.u32  }
0x7c: {  	s1 =	rddreg [dreg:$0x1];
	p0 =	sne.s32 s2, $0x0  }
0x7d: {  	s3 =	rddreg [dreg:$0x2];
	[bflag:$0x3] =	sbarrier.arrive $0xFFFF;
	s2 =	simm.s32 @!p0 $0x1C09  }
0x7e: {  	[timem:s3], [sflag:s2] =	dma.local @!p0 [hbm:s0], s1  }
0x7f: {  	s0 =	simm.s32 @!p0 $0x9  }
0x80: {  	_ =	swait.ge @!p0 [sflag:s0], s1  }
0x81: {  	s1 =	ssub.s32 @!p0 $0x0, s1;
	[sflag:s0] =	ssyncset.done @!p0 $0x0  }
0x82: {  	[sflag:s0] =	ssyncadd.s32 @!p0 s1  }
0x83: {  	[bflag:$0x3] =	sbarrier.arrive $0xFFFF  }
0x84: {  	_ =	shalt  }

</sc_bundles>
